<compile_context>
chip_gen: v7x
topology: tpu7x:2x2x1
jax: 0.10.2.dev20260603
libtpu: 0.0.44.dev20260713+nightly
codegen_flags: <defaults>
</compile_context>

<pallas_src>
import numpy as np
import jax
import jax.numpy as jnp
from jax import lax
from jax.experimental import pallas as pl
from jax.experimental.pallas import tpu as pltpu
from jax.experimental.pallas import tpu_sc as plsc

_M, _D, _B = 1048576, 32, 16384
_NC, _NS = 2, 16
_CB = _B // (_NC * _NS)

_JOTA = np.arange(_B, dtype=np.int32)


def _vm_body(idx_hbm, jota_hbm, val_hbm, out_hbm,
             tbl_s, idx_all, j_all, my_idx, w_idx, rows, sem, sem_a, sem_b):
    c = lax.axis_index("c")
    s = lax.axis_index("s")
    base = (c * _NS + s) * _CB

    cp_idx = pltpu.async_copy(idx_hbm.at[pl.ds(base, _CB)], my_idx, sem)

    @pl.when(s == 0)
    def _():
        cp_a = pltpu.async_copy(idx_hbm, idx_all, sem_a)
        cp_b = pltpu.async_copy(jota_hbm, j_all, sem_b)
        cp_a.wait()
        cp_b.wait()
        pltpu.sync_copy(j_all, tbl_s.at[idx_all])

    cp_idx.wait()
    plsc.subcore_barrier()

    pltpu.sync_copy(tbl_s.at[my_idx], w_idx)
    pltpu.async_copy(val_hbm.at[w_idx], rows, sem).wait()
    pltpu.sync_copy(rows, out_hbm.at[pl.ds(base, _CB)])


@jax.jit
def _vm_call(idx, jota, val):
    mesh = plsc.VectorSubcoreMesh(core_axis_name="c", subcore_axis_name="s")
    return pl.kernel(
        _vm_body,
        out_type=jax.ShapeDtypeStruct((_B, _D), jnp.float32),
        mesh=mesh,
        compiler_params=pltpu.CompilerParams(use_tc_tiling_on_sc=False),
        scratch_types=[
            pltpu.VMEM_SHARED((_M,), jnp.int32),
            pltpu.VMEM((_B,), jnp.int32),
            pltpu.VMEM((_B,), jnp.int32),
            pltpu.VMEM((_CB,), jnp.int32),
            pltpu.VMEM((_CB,), jnp.int32),
            pltpu.VMEM((_CB, _D), jnp.float32),
            pltpu.SemaphoreType.DMA,
            pltpu.SemaphoreType.DMA,
            pltpu.SemaphoreType.DMA,
        ],
    )(idx, jota, val)


def kernel(mem, idx, val):
    del mem
    return _vm_call(idx, jnp.asarray(_JOTA), val)

# --- scband reference (transcript-rebuilt; emitter-appended) ---
"""Pipeline reference for scband-unified-transformer-vm-62380105007510 (READ-ONLY COPY).

The authoritative reference and input builder live on the scoring server;
editing this copy changes nothing except your own understanding.
"""

import jax, jax.numpy as jnp
import numpy as np

M, D, B = 1048576, 32, 16384

def setup_inputs(seed: int = 0) -> dict:
    key = jax.random.key(seed)
    k1, k2, k3 = jax.random.split(key, 3)
    mem = jax.random.normal(k1, (M, D), dtype=jnp.float32)
    val = jax.random.normal(k2, (B, D), dtype=jnp.float32)
    idx = jax.random.randint(k3, (B,), 0, M, dtype=jnp.int32)
    return {"mem": mem, "idx": idx, "val": val}

def reference(mem, idx, val):
    # AttentionMemory-style hard write: each (addr, value) pair overwrites the
    # matching memory row (scatter-overwrite), then the VM reads the values
    # back at the same addresses (gather). This is the batched equivalent of
    # AttentionMemory.write followed by AttentionMemory.read_hard for each addr.
    new_mem = mem.at[idx].set(val)
    out = jnp.take(new_mem, idx, axis=0)
    return out

if __name__ == "__main__":
    import jax
    _d = setup_inputs()
    print(jax.jit(kernel)(*tuple(_d.values())))

</pallas_src>

<mosaic_0001>
#map = affine_map<(d0, d1) -> (0)>
#map1 = affine_map<(d0, d1) -> (0, 0)>
module attributes {stable_mosaic.version = 14 : i64} {
  func.func @_vm_body(%arg0: i32, %arg1: i32, %arg2: memref<16384xi32, #tpu.memory_space<hbm>>, %arg3: memref<16384xi32, #tpu.memory_space<hbm>>, %arg4: memref<16384x32xf32, #tpu.memory_space<hbm>>, %arg5: memref<16384x32xf32, #tpu.memory_space<hbm>>, %arg6: memref<1048576xi32, #tpu.memory_space<vmem_shared>>, %arg7: memref<16384xi32, #tpu.memory_space<vmem>>, %arg8: memref<16384xi32, #tpu.memory_space<vmem>>, %arg9: memref<512xi32, #tpu.memory_space<vmem>>, %arg10: memref<512xi32, #tpu.memory_space<vmem>>, %arg11: memref<512x32xf32, #tpu.memory_space<vmem>>, %arg12: memref<!tpu.dma_semaphore, #tpu.memory_space<semaphore_mem>>, %arg13: memref<!tpu.dma_semaphore, #tpu.memory_space<semaphore_mem>>, %arg14: memref<!tpu.dma_semaphore, #tpu.memory_space<semaphore_mem>>) attributes {dimension_semantics = [#tpu.dimension_semantics<core_parallel>, #tpu.dimension_semantics<subcore_parallel>], iteration_bounds = array<i64: 2, 16>, scalar_prefetch = 0 : i64, scratch_operands = 9 : i64, tpu.core_type = #tpu.core_type<sc_vector_subcore>, window_params = [{transform_indices = #map}, {transform_indices = #map}, {transform_indices = #map1}, {transform_indices = #map1}]} {
    %mul3A = arith.constant 16 : i32
    %mul3A_0 = arith.muli %arg0, %mul3A : i32
    %add3A = arith.addi %mul3A_0, %arg1 : i32
    %mul3A_1 = arith.constant 512 : i32
    %mul3A_2 = arith.muli %add3A, %mul3A_1 : i32
    %dma_start3A = tpu.memref_slice %arg2[%mul3A_2] : memref<16384xi32, #tpu.memory_space<hbm>> -> memref<512xi32, #tpu.memory_space<hbm>>
    %dma_start3A_3 = tpu.memref_slice %arg2[%mul3A_2] : memref<16384xi32, #tpu.memory_space<hbm>> -> memref<512xi32, #tpu.memory_space<hbm>>
    tpu.enqueue_dma source(%dma_start3A_3 : memref<512xi32, #tpu.memory_space<hbm>>) target(%arg9 : memref<512xi32, #tpu.memory_space<vmem>>) target_semaphore(%arg12 : memref<!tpu.dma_semaphore, #tpu.memory_space<semaphore_mem>>)
    %eq3A = arith.constant 0 : i32
    %eq3A_4 = arith.cmpi eq, %arg1, %eq3A : i32
    %convert_element_type3A = arith.extui %eq3A_4 : i1 to i32
    %cond3A = arith.constant 0 : i32
    %cond3A_5 = arith.cmpi ne, %convert_element_type3A, %cond3A : i32
    scf.if %cond3A_5 {
      tpu.enqueue_dma source(%arg2 : memref<16384xi32, #tpu.memory_space<hbm>>) target(%arg7 : memref<16384xi32, #tpu.memory_space<vmem>>) target_semaphore(%arg13 : memref<!tpu.dma_semaphore, #tpu.memory_space<semaphore_mem>>)
      tpu.enqueue_dma source(%arg3 : memref<16384xi32, #tpu.memory_space<hbm>>) target(%arg8 : memref<16384xi32, #tpu.memory_space<vmem>>) target_semaphore(%arg14 : memref<!tpu.dma_semaphore, #tpu.memory_space<semaphore_mem>>)
      tpu.wait_dma2 semaphore(%arg13 : memref<!tpu.dma_semaphore, #tpu.memory_space<semaphore_mem>>) src(%arg2 : memref<16384xi32, #tpu.memory_space<hbm>>) dst(%arg7 : memref<16384xi32, #tpu.memory_space<vmem>>)
      tpu.wait_dma2 semaphore(%arg14 : memref<!tpu.dma_semaphore, #tpu.memory_space<semaphore_mem>>) src(%arg3 : memref<16384xi32, #tpu.memory_space<hbm>>) dst(%arg8 : memref<16384xi32, #tpu.memory_space<vmem>>)
      "tpu.region"() ({
        %run_scoped3A = tpu.sem_alloc : memref<!tpu.dma_semaphore, #tpu.memory_space<semaphore_mem>>
        %dma_start3A_13 = arith.constant 0 : i32
        %dma_start3A_14 = tpu.memref_slice %arg6[%dma_start3A_13] : memref<1048576xi32, #tpu.memory_space<vmem_shared>> -> memref<1048576xi32, #tpu.memory_space<vmem_shared>>
        tpu.enqueue_indirect_dma source(%arg8 : memref<16384xi32, #tpu.memory_space<vmem>>) target(%dma_start3A_14 : memref<1048576xi32, #tpu.memory_space<vmem_shared>>) offsets(%arg7 : memref<16384xi32, #tpu.memory_space<vmem>>) semaphore(%run_scoped3A : memref<!tpu.dma_semaphore, #tpu.memory_space<semaphore_mem>>)
        %dma_wait3A_15 = arith.constant 0 : i32
        %dma_wait3A_16 = tpu.memref_slice %arg6[%dma_wait3A_15] : memref<1048576xi32, #tpu.memory_space<vmem_shared>> -> memref<1048576xi32, #tpu.memory_space<vmem_shared>>
        tpu.wait_indirect_dma semaphore(%run_scoped3A : memref<!tpu.dma_semaphore, #tpu.memory_space<semaphore_mem>>) src(%arg8 : memref<16384xi32, #tpu.memory_space<vmem>>) dst(%dma_wait3A_16 : memref<1048576xi32, #tpu.memory_space<vmem_shared>>)
        tpu.yield
      }) : () -> ()
    } else {
    }
    %dma_wait3A = tpu.memref_slice %arg2[%mul3A_2] : memref<16384xi32, #tpu.memory_space<hbm>> -> memref<512xi32, #tpu.memory_space<hbm>>
    %dma_wait3A_6 = tpu.memref_slice %arg2[%mul3A_2] : memref<16384xi32, #tpu.memory_space<hbm>> -> memref<512xi32, #tpu.memory_space<hbm>>
    tpu.wait_dma2 semaphore(%arg12 : memref<!tpu.dma_semaphore, #tpu.memory_space<semaphore_mem>>) src(%dma_wait3A_6 : memref<512xi32, #tpu.memory_space<hbm>>) dst(%arg9 : memref<512xi32, #tpu.memory_space<vmem>>)
    %barrier3A = arith.constant 0 : index
    tpu.barrier barrier_id(%barrier3A)
    "tpu.region"() ({
      %run_scoped3A = tpu.sem_alloc : memref<!tpu.dma_semaphore, #tpu.memory_space<semaphore_mem>>
      %dma_start3A_13 = arith.constant 0 : i32
      %dma_start3A_14 = tpu.memref_slice %arg6[%dma_start3A_13] : memref<1048576xi32, #tpu.memory_space<vmem_shared>> -> memref<1048576xi32, #tpu.memory_space<vmem_shared>>
      tpu.enqueue_indirect_dma source(%dma_start3A_14 : memref<1048576xi32, #tpu.memory_space<vmem_shared>>) target(%arg10 : memref<512xi32, #tpu.memory_space<vmem>>) offsets(%arg9 : memref<512xi32, #tpu.memory_space<vmem>>) semaphore(%run_scoped3A : memref<!tpu.dma_semaphore, #tpu.memory_space<semaphore_mem>>)
      %dma_wait3A_15 = arith.constant 0 : i32
      %dma_wait3A_16 = tpu.memref_slice %arg6[%dma_wait3A_15] : memref<1048576xi32, #tpu.memory_space<vmem_shared>> -> memref<1048576xi32, #tpu.memory_space<vmem_shared>>
      tpu.wait_indirect_dma semaphore(%run_scoped3A : memref<!tpu.dma_semaphore, #tpu.memory_space<semaphore_mem>>) src(%dma_wait3A_16 : memref<1048576xi32, #tpu.memory_space<vmem_shared>>) dst(%arg10 : memref<512xi32, #tpu.memory_space<vmem>>)
      tpu.yield
    }) : () -> ()
    %dma_start3A_7 = arith.constant 0 : i32
    %dma_start3A_8 = arith.constant 0 : i32
    %dma_start3A_9 = tpu.memref_slice %arg4[%dma_start3A_7, %dma_start3A_8] : memref<16384x32xf32, #tpu.memory_space<hbm>> -> memref<16384x32xf32, #tpu.memory_space<hbm>>
    tpu.enqueue_indirect_dma source(%dma_start3A_9 : memref<16384x32xf32, #tpu.memory_space<hbm>>) target(%arg11 : memref<512x32xf32, #tpu.memory_space<vmem>>) offsets(%arg10 : memref<512xi32, #tpu.memory_space<vmem>>) semaphore(%arg12 : memref<!tpu.dma_semaphore, #tpu.memory_space<semaphore_mem>>)
    %dma_wait3A_10 = arith.constant 0 : i32
    %dma_wait3A_11 = arith.constant 0 : i32
    %dma_wait3A_12 = tpu.memref_slice %arg4[%dma_wait3A_10, %dma_wait3A_11] : memref<16384x32xf32, #tpu.memory_space<hbm>> -> memref<16384x32xf32, #tpu.memory_space<hbm>>
    tpu.wait_indirect_dma semaphore(%arg12 : memref<!tpu.dma_semaphore, #tpu.memory_space<semaphore_mem>>) src(%dma_wait3A_12 : memref<16384x32xf32, #tpu.memory_space<hbm>>) dst(%arg11 : memref<512x32xf32, #tpu.memory_space<vmem>>)
    "tpu.region"() ({
      %run_scoped3A = tpu.sem_alloc : memref<!tpu.dma_semaphore, #tpu.memory_space<semaphore_mem>>
      %dma_start3A_13 = arith.constant 0 : i32
      %dma_start3A_14 = tpu.memref_slice %arg5[%mul3A_2, %dma_start3A_13] : memref<16384x32xf32, #tpu.memory_space<hbm>> -> memref<512x32xf32, #tpu.memory_space<hbm>>
      %dma_start3A_15 = arith.constant 0 : i32
      %dma_start3A_16 = tpu.memref_slice %arg5[%mul3A_2, %dma_start3A_15] : memref<16384x32xf32, #tpu.memory_space<hbm>> -> memref<512x32xf32, #tpu.memory_space<hbm>>
      tpu.enqueue_dma source(%arg11 : memref<512x32xf32, #tpu.memory_space<vmem>>) target(%dma_start3A_16 : memref<512x32xf32, #tpu.memory_space<hbm>>) target_semaphore(%run_scoped3A : memref<!tpu.dma_semaphore, #tpu.memory_space<semaphore_mem>>)
      %dma_wait3A_17 = arith.constant 0 : i32
      %dma_wait3A_18 = tpu.memref_slice %arg5[%mul3A_2, %dma_wait3A_17] : memref<16384x32xf32, #tpu.memory_space<hbm>> -> memref<512x32xf32, #tpu.memory_space<hbm>>
      %dma_wait3A_19 = arith.constant 0 : i32
      %dma_wait3A_20 = tpu.memref_slice %arg5[%mul3A_2, %dma_wait3A_19] : memref<16384x32xf32, #tpu.memory_space<hbm>> -> memref<512x32xf32, #tpu.memory_space<hbm>>
      tpu.wait_dma2 semaphore(%run_scoped3A : memref<!tpu.dma_semaphore, #tpu.memory_space<semaphore_mem>>) src(%arg11 : memref<512x32xf32, #tpu.memory_space<vmem>>) dst(%dma_wait3A_20 : memref<512x32xf32, #tpu.memory_space<hbm>>)
      tpu.yield
    }) : () -> ()
    return
  }
}

</mosaic_0001>

<sc_bundles>
// kernel: _vm_call.3.cloned.1.call-start
scs
__scs_entry_jumppad:
0x0: {  	(pc) =	sbr.rel $0x88, $3  }
0x1: {  	(tag) =	ssettag $0x0;
	lr =	simm.s32 $0x1  }
0x2: {  	[smem:$0x3F9E] =	sst lr;
	_ =	strace $0xD0000000  }
0x3: {  	_ = 	snop  }
0x4: {  	_ = 	snop  }
0x5: {  	_ = 	snop  }
0x6: {  	_ = 	snop  }
0x7: {  	_ = 	snop  }
__scs_overlays_trampoline_lowered:
0x8: {  	[smem:$0x3FAD] =	sst s0  }
0x9: {  	[smem:$0x3FAE] =	sst s1  }
0xa: {  	[smem:$0x3FAF] =	sst s2  }
0xb: {  	[smem:$0x3FB0] =	sst s3  }
0xc: {  	[smem:$0x3FB1] =	sst s4  }
0xd: {  	[smem:$0x3FB2] =	sst s5  }
0xe: {  	[smem:$0x3FB3] =	sst s6  }
0xf: {  	[smem:$0x3FB4] =	sst s7  }
0x10: {  	[smem:$0x3FB5] =	sst s8  }
0x11: {  	[smem:$0x3FB6] =	sst s9;
	s0 =	simm.s32 @!p0 $0x0  }
0x12: {  	s1 =	sld [smem:$0x3F9C];
	s0 =	simm.s32 @p0 $0x1  }
0x13: {  	[smem:$0x3FB7] =	sst s0;
	s0 =	simm.s32 @!p1 $0x0  }
0x14: {  	s2 =	sld [smem:$0x3F9B];
	s0 =	simm.s32 @p1 $0x1  }
0x15: {  	[smem:$0x3FB8] =	sst s0;
	s0 =	simm.s32 @!p2 $0x0  }
0x16: {  	s3 =	sld [smem:$0x3FDB];
	s0 =	simm.s32 @p2 $0x1  }
0x17: {  	s4 =	simm.s32 $0x1BF5;
	[smem:$0x3FBA] =	sst s0  }
0x18: {  	s0 =	sld [smem:$0x3F9D];
	_ =	swait.ge [sflag:s4], $0x0  }
0x19: {  	s7 =	sld [smem:$0x3F9E]  }
0x1a: {  	s8 =	sadd.s32 $0xFFFFE003, lr  }
0x1b: {  	s9 =	sadd.s32 $0xFFFFFEF7, lr;
	s5 =	simm.s32 $0xFFFFFFFF;
	p2 =	slt.u32 s8, $0xFFFFF086  }
0x1c: {  	p1 =	slt.u32 s9, $0xF7A;
	s5 =	simm.s32 @!p2 $0x0  }
0x1d: {  	s5 =	simm.s32 @p1 $0x1;
	p0 =	seq.s32 s7, s2  }
0x1e: {  	s7 =	smul.u32 @!p0 $0xF7A, s2;
	p2 =	seq.s32 @!p0 s5, $0x0  }
0x1f: {  	s9 =	smul.u32 $0xF7A, s1;
	s8 =	simm.s32 @!p0 $0x1BF5;
	p2 =	por !p2, p0  }
0x20: {  	[sflag:s8] =	ssyncset.s32 @!p0 $0xFFFFF086;
	s6 =	sadd.s32 @!p0 s3, s7;
	s7 =	simm.s32 @!p0 $0x108  }
0x21: {  	s3 =	sadd.s32 s3, s9;
	s6 =	sadd.s32 @!p0 $0x88, s6;
	s7 =	simm.s32 @p2 $0x1082  }
0x22: {  	[simem:s7], [sflag:s8] =	dma.local @!p0 [hbm:s6], $0xF7A  }
0x23: {  	s9 =	sor.u32 $0xD0000000, s2;
	s6 =	simm.s32 $0x108;
	_ =	swait.ge @!p0 [sflag:s8], $0x0  }
0x24: {  	s3 =	sadd.s32 $0x88, s3;
	s6 =	simm.s32 @!p1 $0x1082;
	[sflag:s4] =	ssyncset.s32 $0xFFFFF086  }
0x25: {  	[simem:s6], [sflag:s4] =	dma.local [hbm:s3], $0xF7A  }
0x26: {  	[smem:$0x3F9E] =	sst s1;
	(tag) =	ssettag s2;
	_ =	strace s9  }
0x27: {  	s1 =	sld [smem:$0x3FAE]  }
0x28: {  	s2 =	sld [smem:$0x3FAF]  }
0x29: {  	s4 =	sld [smem:$0x3FB1]  }
0x2a: {  	p0 =	seq.s32 s5, $0x0;
	s5 =	sld [smem:$0x3FB2]  }
0x2b: {  	s6 =	sld [smem:$0x3FB3]  }
0x2c: {  	s7 =	sld [smem:$0x3FB4]  }
0x2d: {  	s3 =	simm.s32 $0x108;
	s8 =	sld [smem:$0x3FB5]  }
0x2e: {  	s3 =	simm.s32 @!p0 $0x1082;
	s9 =	sld [smem:$0x3FB6]  }
0x2f: {  	lr =	sadd.s32 s0, s3;
	s0 =	sld [smem:$0x3FAD]  }
0x30: {  	s3 =	sld [smem:$0x3FB0]  }
0x31: {  	[smem:$0x3FB9] =	sst s10  }
0x32: {  	s10 =	sld [smem:$0x3FB7];
	_ =	sdelay $0x3  }
0x33: {  	p0 =	seq.s32 s10, $0x1;
	s10 =	sld [smem:$0x3FB9];
	_ =	sdelay $0x3  }
0x34: {  	[smem:$0x3FB9] =	sst s10  }
0x35: {  	s10 =	sld [smem:$0x3FB8];
	_ =	sdelay $0x3  }
0x36: {  	p1 =	seq.s32 s10, $0x1;
	s10 =	sld [smem:$0x3FB9];
	_ =	sdelay $0x3  }
0x37: {  	[smem:$0x3FB9] =	sst s10  }
0x38: {  	s10 =	sld [smem:$0x3FBA]  }
0x39: {  	_ = 	snop;
	(pc) =	sbr.ind lr, $3  }
0x3a: {  	_ = 	snop  }
0x3b: {  	_ = 	snop  }
0x3c: {  	p2 =	seq.s32 s10, $0x1;
	s10 =	sld [smem:$0x3FB9]  }
0x3d: {  	_ =	shalt  }
0x3e: {  	_ =	shalt  }
0x3f: {  	_ =	shalt  }
0x40: {  	_ =	shalt  }
0x41: {  	_ =	shalt  }
0x42: {  	_ =	shalt  }
0x43: {  	_ =	shalt  }
0x44: {  	_ =	shalt  }
0x45: {  	_ =	shalt  }
0x46: {  	_ =	shalt  }
0x47: {  	_ =	shalt  }
0x48: {  	_ =	shalt  }
0x49: {  	_ =	shalt  }
0x4a: {  	_ =	shalt  }
0x4b: {  	_ =	shalt  }
0x4c: {  	_ =	shalt  }
0x4d: {  	_ =	shalt  }
0x4e: {  	_ =	shalt  }
0x4f: {  	_ =	shalt  }
0x50: {  	_ =	shalt  }
0x51: {  	_ =	shalt  }
0x52: {  	_ =	shalt  }
0x53: {  	_ =	shalt  }
0x54: {  	_ =	shalt  }
0x55: {  	_ =	shalt  }
0x56: {  	_ =	shalt  }
0x57: {  	_ =	shalt  }
0x58: {  	_ =	shalt  }
0x59: {  	_ =	shalt  }
0x5a: {  	_ =	shalt  }
0x5b: {  	_ =	shalt  }
0x5c: {  	_ =	shalt  }
0x5d: {  	_ =	shalt  }
0x5e: {  	_ =	shalt  }
0x5f: {  	_ =	shalt  }
0x60: {  	_ =	shalt  }
0x61: {  	_ =	shalt  }
0x62: {  	_ =	shalt  }
0x63: {  	_ =	shalt  }
0x64: {  	_ =	shalt  }
0x65: {  	_ =	shalt  }
0x66: {  	_ =	shalt  }
0x67: {  	_ =	shalt  }
0x68: {  	_ =	shalt  }
0x69: {  	_ =	shalt  }
0x6a: {  	_ =	shalt  }
0x6b: {  	_ =	shalt  }
0x6c: {  	_ =	shalt  }
0x6d: {  	_ =	shalt  }
0x6e: {  	_ =	shalt  }
0x6f: {  	_ =	shalt  }
0x70: {  	_ =	shalt  }
0x71: {  	_ =	shalt  }
0x72: {  	_ =	shalt  }
0x73: {  	_ =	shalt  }
0x74: {  	_ =	shalt  }
0x75: {  	_ =	shalt  }
0x76: {  	_ =	shalt  }
0x77: {  	_ =	shalt  }
0x78: {  	_ =	shalt  }
0x79: {  	_ =	shalt  }
0x7a: {  	_ =	shalt  }
0x7b: {  	_ =	shalt  }
0x7c: {  	_ =	shalt  }
0x7d: {  	_ =	shalt  }
0x7e: {  	_ =	shalt  }
0x7f: {  	_ =	shalt  }
0x80: {  	_ =	shalt  }
0x81: {  	_ =	shalt  }
0x82: {  	_ =	shalt  }
0x83: {  	_ =	shalt  }
0x84: {  	_ =	shalt  }
0x85: {  	_ =	shalt  }
0x86: {  	_ =	shalt  }
0x87: {  	_ =	shalt  }
.Lfunc_end0:
.L_simem_size_0:
called_computation_lowered:
.L_overlay_start_0:
0x88: {  	s2 =	sld [smem:$0x3FD9]  }
0x89: {  	s3 =	sld [smem:$0x3FFE];
	_ =	sdelay $0x1  }
0x8a: {  	s1 =	srdreg.scid  }
0x8b: {  	s0 =	sand.u32 $0x1, s1  }
0x8c: {  	s17 =	sshll.u32 s0, $0xA;
	s2 =	sadd.s32 s3, s2  }
0x8d: {  	s2 =	sadd.s32 s2, s17  }
0x8e: {  	[smem:$0x3FC5] =	sst s2  }
0x8f: {  	_ = 	snop  }
0x90: {  	s2 =	sld [smem:$0x3FC9]  }
0x91: {  	s18 =	sld [smem:$0x3FC8]  }
0x92: {  	s4 =	sld [smem:$0x3FD0];
	(tm) =	ssettm $0x1  }
0x93: {  	s5 =	sld [smem:$0x3FFB];
	_ =	sdelay $0x3  }
0x94: {  	_ =	strace s5  }
0x95: {  	s5 =	sld [smem:$0x3FFC];
	_ =	sdelay $0x3  }
0x96: {  	_ =	strace s5  }
0x97: {  	s5 =	sld [smem:$0x3FFD];
	_ =	sdelay $0x3  }
0x98: {  	_ =	strace s5  }
0x99: {  	_ =	strace $0x8FFFFFFF  }
0x9a: {  	s19 =	sld [smem:$0x3FDB];
	_ =	sdelay $0x1  }
0x9b: {  	s6 =	simm.s32 $_scs_section_size  }
0x9c: {  	s7 =	simm.s32 $_size__tile_overlayer_lowered;
	s8 =	simm.s32 $_tile_overlayer_lowered  }
0x9d: {  	s22 =	simm.s32 $0x1BFF;
	s21 =	sshll.u32 s8, $0x1;
	s5 =	sadd.s32 s6, s19  }
0x9e: {  	s9 =	simm.s32 $0x0;
	s20 =	sshll.u32 s7, $0x1;
	s7 =	sadd.s32 s21, s5  }
0x9f: {  	[timem:s9], [sflag:s22] =	dma.local [hbm:s7], s20  }
0xa0: {  	_ =	swait.ge [sflag:s22], s20  }
0xa1: {  	s6 =	ssub.s32 $0x0, s20;
	[sflag:s22] =	ssyncset.done $0x0  }
0xa2: {  	[sflag:s22] =	ssyncadd.s32 s6;
	_ =	sdelay $0x1  }
0xa3: {  	s23 =	simm.s32 $0x1B8B  }
0xa4: {  	_ =	swait.ge [sflag:s23], $0x1  }
0xa5: {  	[sflag:s23] =	ssyncset.done $0x0  }
0xa6: {  	s25 =	simm.s32 $0x1B8E;
	s24 =	sld [smem:$0x3FFE];
	[sflag:s23] =	ssyncadd.s32 $0xFFFFFFFF  }
0xa7: {  	s26 =	simm.s32 $execute0_lowered;
	[smem:$0x3FD2] =	sst s25  }
0xa8: {  	s7 =	sshll.u32 s26, $0x1;
	_ =	strace $0x80000046;
	[dreg:$0x1] =	wrdreg $0xFFFFFFFF  }
0xa9: {  	s28 =	simm.s32 $_size_execute0_lowered;
	s5 =	sadd.s32 s5, s7;
	[dreg:$0x0] =	wrdreg $0x0  }
0xaa: {  	s7 =	sshll.u32 s28, $0x1;
	[dreg:$0x2] =	wrdreg s5  }
0xab: {  	[dreg:$0x3] =	wrdreg s7  }
0xac: {  	[dreg:$0x4] =	wrdreg $0xC0  }
0xad: {  	_ =	task [dreg:s9], $0x5FFFF  }
0xae: {  	[dreg:$0x1] =	wrdreg $0xFFFFFFFF  }
0xaf: {  	[dreg:$0x0] =	wrdreg $0x60  }
0xb0: {  	[dreg:$0x2] =	wrdreg s2  }
0xb1: {  	[dreg:$0x3] =	wrdreg s18  }
0xb2: {  	[dreg:$0x4] =	wrdreg s4  }
0xb3: {  	[dreg:$0x5] =	wrdreg s24  }
0xb4: {  	[dreg:$0x6] =	wrdreg $0x0  }
0xb5: {  	[dreg:$0x7] =	wrdreg $0x9  }
0xb6: {  	_ =	task.clear_ibuf [dreg:s9], $0x8FFFF;
	_ =	strace $0x90000046  }
0xb7: {  	s29 =	simm.s32 $0x9;
	_ =	strace $0x80000048  }
0xb8: {  	_ =	swait.ge [sflag:s29], $0x1  }
0xb9: {  	[sflag:s29] =	ssyncadd.s32 $0xFFFFFFFF  }
0xba: {  	_ =	strace $0x90000048  }
0xbb: {  	_ =	sfence  }
0xbc: {  	s30 =	sld [smem:$0x0];
	_ =	sdelay $0x2  }
0xbd: {  	s31 =	sshll.u32 s1, $0xD;
	s1 =	sshrl.u32 s1, $0x2  }
0xbe: {  	s3 =	sand.u32 $0x4000, s31;
	s1 =	sadd.s32 s1, s30  }
0xbf: {  	s0 =	sor.u32 s3, s0;
	s1 =	sshll.u32 s1, $0x11  }
0xc0: {  	s0 =	sor.u32 s1, s0  }
0xc1: {  	s0 =	sadd.s32 $0x8F2B, s0  }
0xc2: {  	[sflag:s0] =	ssyncadd.remote.s32 $0x1  }
0xc3: {  	_ =	sfence.sel $0xFFFF  }
0xc4: {  	[dreg:$0x0] =	wrdreg $0xFFFFFFFF;
	(pc) =	sbr.abs _section_cstart, $3  }
0xc5: {  	[dreg:$0x1] =	wrdreg $0xFFFFFFFF  }
0xc6: {  	_ =	task.clear_ibuf [dreg:s9], $0x2FFFF;
	_ =	strace $0x9FFFFFFF  }
0xc7: {  	(tm) =	ssettm $0x7FFFFFFF  }
tec
execute0_lowered:
.L_overlay_start_1:
0x0: {  	(tag) =	ssettag $0x1  }
0x1: {  	s1 =	rddreg [dreg:$0x0]  }
0x2: {  	s2 =	rddreg [dreg:$0x1]  }
0x3: {  	s3 =	rddreg [dreg:$0x2];
	s5 =	srdreg.scid  }
0x4: {  	s20 =	rddreg [dreg:$0x3];
	s7 =	stileid.u32;
	s19 =	sand.u32 $0x1, s5  }
0x5: {  	s4 =	rddreg [dreg:$0x4];
	s8 =	sshll.u32 s7, $0x9;
	s6 =	sshll.u32 s19, $0xD  }
0x6: {  	s0 =	rddreg [dreg:$0x5];
	s5 =	simm.s32 $0x0;
	s21 =	sor.u32 s8, s6  }
0x7: {  	p0 =	sne.s32 s7, $0x0;
	[smem:$0x7FF] =	sst s5;
	s6 =	sshrl.u32 s21, $0x3  }
0x8: {  	s7 =	simm.s32 $0x18000;
	_ =	strace $0x80000047;
	s6 =	sadd.s32 s1, s6  }
0x9: {  	[tilespmem:s7], [sflag:$0x1] =	stream.linear.gather [hbm4b:s6+s5], $0x200, $0x38;
	[tilespmem:$0x1C400] =	vst v63  }
0xa: {  	s9 =	simm.s32 @!p0 $0x10000;
	s8 =	simm.s32 @!p0 $0x0  }
0xb: {  	[tilespmem:s9], [sflag:$0x2] =	stream.linear.gather @!p0 [hbm4b:s1+s8], $0x4000, $0x38;
	[tilespmem:$0x1C400] =	vst v63  }
0xc: {  	s10 =	simm.s32 @!p0 $0x14000;
	s11 =	simm.s32 @!p0 $0x2  }
0xd: {  	[tilespmem:s10], [sflag:$0x3] =	stream.linear.gather @!p0 [hbm4b:s2+s8], $0x4000, $0x38;
	[tilespmem:$0x1C400] =	vst v63  }
0xe: {  	_ =	swait.ge @!p0 [sflag:s11], $0x4000  }
0xf: {  	[sflag:s11] =	ssyncset.done @!p0 $0x0  }
0x10: {  	s12 =	simm.s32 @!p0 $0x3;
	[sflag:s11] =	ssyncadd.s32 @!p0 $0xFFFFC000  }
0x11: {  	_ =	swait.ge @!p0 [sflag:s12], $0x4000  }
0x12: {  	[sflag:s12] =	ssyncset.done @!p0 $0x0  }
0x13: {  	s13 =	simm.s32 @!p0 $0x4000;
	s14 =	simm.s32 @!p0 $0x4;
	[sflag:s12] =	ssyncadd.s32 @!p0 $0xFFFFC000  }
0x14: {  	[spmem:s4] =	stream.indirect.scatter @!p0 [tilespmem:s10], [sflag:$0x4], $0x1, s9, s13, $0xb8;
	[tilespmem:$0x1C400] =	vst v63  }
0x15: {  	_ =	swait.ge @!p0 [sflag:s14], $0x4000  }
0x16: {  	[sflag:s14] =	ssyncset.done @!p0 $0x0  }
0x17: {  	s15 =	simm.s32 $0x1;
	[sflag:s14] =	ssyncadd.s32 @!p0 $0xFFFFC000  }
0x18: {  	_ =	swait.ge [sflag:s15], $0x200  }
0x19: {  	s16 =	simm.s32 $0x200;
	[sflag:s15] =	ssyncset.done $0x0  }
0x1a: {  	s18 =	simm.s32 $0x18200;
	s22 =	ssub.s32 $0x2, s19;
	[sflag:s15] =	ssyncadd.s32 $0xFFFFFE00  }
0x1b: {  	s17 =	simm.s32 $0x4;
	s23 =	sshrl.u32 s22, $0x1;
	[bflag:$0x0] =	sbarrier.arrive $0xFFFF  }
0x1c: {  	[tilespmem:s18], [sflag:$0x4] =	stream.indirect.gather [spmem:s4], $0x1, s7, s16, $0xb8;
	[tilespmem:$0x1C400] =	vst v63  }
0x1d: {  	s19 =	simm.s32 $0x18400;
	s22 =	ssub.s32 s22, s23;
	_ =	swait.ge [sflag:s17], $0x200  }
0x1e: {  	s21 =	sshll.u32 s21, $0x2;
	s31 =	smax.u32 s22, $0x1;
	[sflag:s17] =	ssyncset.done $0x0  }
0x1f: {  	s20 =	sadd.s32 s21, s20;
	s21 =	sadd.s32 $0xFFFFFFFF, s31;
	[sflag:s17] =	ssyncadd.s32 $0xFFFFFE00  }
0x20: {  	[tilespmem:s19], [sflag:$0x1] =	stream.indirect.gather [hbm4b:s3+s16], $0x20, s18, s16, $0xb8;
	[tilespmem:$0x1C400] =	vst v63  }
0x21: {  	p1 =	sne.s32 s21, $0x0;
	_ =	swait.ge [sflag:s15], $0x4000  }
.Ltmp0:
0x22: {  	[sflag:s15] =	ssyncset.done $0x0;
	(pc) =	sbr.rel @!p1 .LBB2_2-.Ltmp0, $4  }
0x23: {  	s20 =	sadd.s32 $0x400, s20;
	[sflag:s15] =	ssyncadd.s32 $0xFFFFC000  }
0x24: {  	[hbm4b:s20+s5] =	stream.linear.scatter [tilespmem:s19], [sflag:$0x4], $0x4000, $0x38;
	[tilespmem:$0x1C400] =	vst v63  }
0x25: {  	_ =	swait.ge [sflag:s17], $0x4000  }
0x26: {  	[sflag:s17] =	ssyncset.done $0x0  }
.LBB2_1:
0x27: {  	s21 =	sadd.s32 $0xFFFFFFFF, s21;
	[sflag:s17] =	ssyncadd.s32 $0xFFFFC000  }
0x28: {  	[tilespmem:s7], [sflag:$0x1] =	stream.linear.gather [hbm4b:s6+s5], $0x200, $0x38;
	[tilespmem:$0x1C400] =	vst v63  }
0x29: {  	p1 =	sne.s32 s21, $0x0  }
0x2a: {  	[tilespmem:s9], [sflag:$0x2] =	stream.linear.gather @!p0 [hbm4b:s1+s8], $0x4000, $0x38;
	[tilespmem:$0x1C400] =	vst v63  }
0x2b: {  	_ = 	snop  }
0x2c: {  	[tilespmem:s10], [sflag:$0x3] =	stream.linear.gather @!p0 [hbm4b:s2+s8], $0x4000, $0x38;
	[tilespmem:$0x1C400] =	vst v63  }
0x2d: {  	_ =	swait.ge @!p0 [sflag:s11], $0x4000  }
0x2e: {  	[sflag:s11] =	ssyncset.done @!p0 $0x0  }
0x2f: {  	[sflag:s11] =	ssyncadd.s32 @!p0 $0xFFFFC000  }
0x30: {  	_ =	swait.ge @!p0 [sflag:s12], $0x4000  }
0x31: {  	[sflag:s12] =	ssyncset.done @!p0 $0x0  }
0x32: {  	[sflag:s12] =	ssyncadd.s32 @!p0 $0xFFFFC000  }
0x33: {  	[spmem:s4] =	stream.indirect.scatter @!p0 [tilespmem:s10], [sflag:$0x4], $0x1, s9, s13, $0xb8;
	[tilespmem:$0x1C400] =	vst v63  }
0x34: {  	_ =	swait.ge @!p0 [sflag:s14], $0x4000  }
0x35: {  	[sflag:s14] =	ssyncset.done @!p0 $0x0  }
0x36: {  	[sflag:s14] =	ssyncadd.s32 @!p0 $0xFFFFC000  }
0x37: {  	_ =	swait.ge [sflag:s15], $0x200  }
0x38: {  	[sflag:s15] =	ssyncset.done $0x0  }
0x39: {  	[sflag:s15] =	ssyncadd.s32 $0xFFFFFE00  }
0x3a: {  	[bflag:$0x0] =	sbarrier.arrive $0xFFFF  }
0x3b: {  	[tilespmem:s18], [sflag:$0x4] =	stream.indirect.gather [spmem:s4], $0x1, s7, s16, $0xb8;
	[tilespmem:$0x1C400] =	vst v63  }
0x3c: {  	_ =	swait.ge [sflag:s17], $0x200  }
0x3d: {  	[sflag:s17] =	ssyncset.done $0x0  }
0x3e: {  	[sflag:s17] =	ssyncadd.s32 $0xFFFFFE00  }
0x3f: {  	[tilespmem:s19], [sflag:$0x1] =	stream.indirect.gather [hbm4b:s3+s16], $0x20, s18, s16, $0xb8;
	[tilespmem:$0x1C400] =	vst v63  }
0x40: {  	_ =	swait.ge [sflag:s15], $0x4000  }
.Ltmp1:
0x41: {  	[sflag:s15] =	ssyncset.done $0x0;
	(pc) =	sbr.rel @p1 .LBB2_1-.Ltmp1, $4  }
0x42: {  	[sflag:s15] =	ssyncadd.s32 $0xFFFFC000  }
0x43: {  	[hbm4b:s20+s5] =	stream.linear.scatter [tilespmem:s19], [sflag:$0x4], $0x4000, $0x38;
	[tilespmem:$0x1C400] =	vst v63  }
0x44: {  	_ =	swait.ge [sflag:s17], $0x4000  }
0x45: {  	[sflag:s17] =	ssyncset.done $0x0  }
.LBB2_2:
0x46: {  	[sflag:s17] =	ssyncadd.s32 $0xFFFFC000  }
0x47: {  	_ =	sfence.sel $0x180000  }
0x48: {  	[bflag:$0x0] =	sbarrier.arrive $0xFFFF  }
0x49: {  	_ =	strace $0x90000047  }
0x4a: {  	s0 =	sadd.s32 @!p0 $0x100000, s0;
	[bflag:$0x2] =	sbarrier.arrive $0xFFFF  }
0x4b: {  	[sflag:s0] =	ssyncadd.tile.s32 @!p0 $0x1;
	_ =	shalt  }
.Lfunc_end2:
_tile_overlayer_lowered:
.L_overlay_start_2:
0x4c: {  	(tag) =	ssettag $0x2  }
0x4d: {  	s0 =	rddreg [dreg:$0x0];
	s2 =	stileid.u32  }
0x4e: {  	s1 =	rddreg [dreg:$0x1];
	p0 =	sne.s32 s2, $0x0  }
0x4f: {  	s3 =	rddreg [dreg:$0x2];
	[bflag:$0x3] =	sbarrier.arrive $0xFFFF;
	s2 =	simm.s32 @!p0 $0x1C04  }
0x50: {  	[timem:s3], [sflag:s2] =	dma.local @!p0 [hbm:s0], s1  }
0x51: {  	s0 =	simm.s32 @!p0 $0x4  }
0x52: {  	_ =	swait.ge @!p0 [sflag:s0], s1  }
0x53: {  	s1 =	ssub.s32 @!p0 $0x0, s1;
	[sflag:s0] =	ssyncset.done @!p0 $0x0  }
0x54: {  	[sflag:s0] =	ssyncadd.s32 @!p0 s1  }
0x55: {  	[bflag:$0x3] =	sbarrier.arrive $0xFFFF  }
0x56: {  	_ =	shalt  }

</sc_bundles>
